<compile_context>
chip_gen: v7x
topology: tpu7x:2x2x1
jax: 0.10.2.dev20260603
libtpu: 0.0.44.dev20260713+nightly
codegen_flags: <defaults>
</compile_context>

<pallas_src>
import functools

import jax
import jax.numpy as jnp
from jax.experimental import pallas as pl
from jax.experimental.pallas import tpu as pltpu
from jax.experimental.pallas import tpu_sc as plsc

_VOCAB = 1000
_SC_CORES = 2
_SC_SUBCORES = 16
_SC_LANES = 16
_SC_WIN = 512


def _prep_kernel(table_ref, tabt_ref, comb_ref):
    tab = table_ref[...]
    m = jnp.max(tab, axis=1, keepdims=True)
    lse = m + jnp.log(jnp.sum(jnp.exp(tab - m), axis=1, keepdims=True))
    tabt_ref[...] = tab.astype(jnp.bfloat16).T
    comb_ref[:_VOCAB, :] = -tab
    comb_ref[_VOCAB:_VOCAB + 1, :] = lse.T
    comb_ref[_VOCAB + 1:_VOCAB + 2, :] = jnp.zeros((1, _VOCAB), jnp.float32)


def _tc_kernel(idx_ref, tabt_ref, out_ref):
    nb = out_ref.shape[2]
    idx_row = idx_ref[0, 0, :]
    viota = jax.lax.broadcasted_iota(jnp.int32, (_VOCAB, nb), 0)
    onehot_t = (viota == idx_row[None, :]).astype(jnp.bfloat16)
    out_ref[0] = jnp.dot(tabt_ref[...], onehot_t,
                         preferred_element_type=jnp.float32)


def _sc_loss_partials(comb_flat, gidx):
    nidx = gidx.shape[1]
    mesh = plsc.VectorSubcoreMesh(core_axis_name="core",
                                  subcore_axis_name="subcore")

    @pl.kernel(
        out_type=jax.ShapeDtypeStruct(
            (_SC_CORES, _SC_SUBCORES, _SC_LANES), jnp.float32),
        mesh=mesh,
        scratch_types=[pltpu.VMEM((_SC_WIN,), jnp.float32),
                       pltpu.VMEM((_SC_LANES,), jnp.float32)],
    )
    def kern(comb_hbm, gidx_hbm, o_hbm, gath_vmem, acc_vmem):
        core = jax.lax.axis_index("core")
        sub = jax.lax.axis_index("subcore")
        acc_vmem[...] = jnp.zeros((_SC_LANES,), jnp.float32)

        def body(i_vmem):
            pltpu.sync_copy(comb_hbm.at[i_vmem.at[0]], gath_vmem)

            @pl.loop(0, _SC_WIN, step=_SC_LANES)
            def _(c):
                acc_vmem[...] += gath_vmem[pl.ds(c, _SC_LANES)]

        pltpu.emit_pipeline(
            body,
            grid=(nidx // _SC_WIN,),
            in_specs=[pl.BlockSpec((1, _SC_WIN), index_map=lambda i: (0, i))],
            out_specs=[],
            core_axis_name=("core", "subcore"),
            dimension_semantics=(pltpu.PARALLEL,),
        )(gidx_hbm)
        pltpu.sync_copy(acc_vmem, o_hbm.at[core, sub])

    return kern(comb_flat, gidx)


@functools.partial(jax.jit, static_argnames=())
def kernel(table, index, targets):
    b, t = index.shape
    n = b * t
    idx32 = index.astype(jnp.int32)
    idx = idx32.T.reshape(t, 1, b)

    tabt, comb = pl.pallas_call(
        _prep_kernel,
        out_shape=[
            jax.ShapeDtypeStruct((_VOCAB, _VOCAB), jnp.bfloat16),
            jax.ShapeDtypeStruct((_VOCAB + 2, _VOCAB), jnp.float32),
        ],
    )(table)

    pick_idx = (idx32 * _VOCAB + targets.astype(jnp.int32)).reshape(1, n)
    lse_idx = (idx32 + _VOCAB * _VOCAB).reshape(1, n)
    gidx = jnp.concatenate([pick_idx, lse_idx], axis=1)
    partials = _sc_loss_partials(comb.reshape((_VOCAB + 2) * _VOCAB), gidx)

    logits_t = pl.pallas_call(
        _tc_kernel,
        grid=(t,),
        in_specs=[
            pl.BlockSpec((1, 1, b), lambda i: (i, 0, 0)),
            pl.BlockSpec((_VOCAB, _VOCAB), lambda i: (0, 0)),
        ],
        out_specs=pl.BlockSpec((1, _VOCAB, b), lambda i: (i, 0, 0)),
        out_shape=jax.ShapeDtypeStruct((t, _VOCAB, b), jnp.float32),
    )(idx, tabt)

    logits = jnp.transpose(logits_t, (2, 0, 1))
    loss = jnp.sum(partials) / n
    return (logits, loss)

# --- scband reference (transcript-rebuilt; emitter-appended) ---
"""Pipeline reference for scband-bigram-language-model-37873021616320 (READ-ONLY COPY).

The authoritative reference and input builder live on the scoring server;
editing this copy changes nothing except your own understanding.
"""

import jax, jax.numpy as jnp
import numpy as np

VOCAB = 1000
B, T = 1024, 50

def setup_inputs(seed: int = 0) -> dict:
    key = jax.random.key(seed)
    k_tab, k_idx, k_tgt = jax.random.split(key, 3)
    table = jax.random.normal(k_tab, (VOCAB, VOCAB), dtype=jnp.float32)
    index = jax.random.randint(k_idx, (B, T), 0, VOCAB, dtype=jnp.int64)
    targets = jax.random.randint(k_tgt, (B, T), 0, VOCAB, dtype=jnp.int64)
    return {"table": table, "index": index, "targets": targets}

def reference(table, index, targets):
    # Embedding lookup: logits[b, t, :] = table[index[b, t], :]
    logits = jnp.take(table, index, axis=0)  # [B, T, VOCAB]
    Bv, Tv, Cv = logits.shape
    logits_flat = logits.reshape(Bv * Tv, Cv)
    targets_flat = targets.reshape(Bv * Tv)
    # CrossEntropyLoss (mean reduction): -log_softmax(logits)[target]
    logZ = jax.scipy.special.logsumexp(logits_flat, axis=-1)
    picked = jnp.take_along_axis(logits_flat, targets_flat[:, None], axis=1)[:, 0]
    loss = jnp.mean(logZ - picked)
    return (logits, loss)

if __name__ == "__main__":
    import jax
    _d = setup_inputs()
    print(jax.jit(kernel)(*tuple(_d.values())))

</pallas_src>

<mosaic_0001>
#map = affine_map<(d0, d1) -> (0)>
#map1 = affine_map<(d0, d1) -> (0, 0)>
#map2 = affine_map<(d0, d1) -> (0, 0, 0)>
module attributes {stable_mosaic.version = 14 : i64} {
  func.func @kern(%arg0: i32, %arg1: i32, %arg2: memref<1002000xf32, #tpu.memory_space<hbm>>, %arg3: memref<1x102400xi32, #tpu.memory_space<hbm>>, %arg4: memref<2x16x16xf32, #tpu.memory_space<hbm>>, %arg5: memref<512xf32, #tpu.memory_space<vmem>>, %arg6: memref<16xf32, #tpu.memory_space<vmem>>) attributes {dimension_semantics = [#tpu.dimension_semantics<core_parallel>, #tpu.dimension_semantics<subcore_parallel>], iteration_bounds = array<i64: 2, 16>, scalar_prefetch = 0 : i64, scratch_operands = 2 : i64, tpu.core_type = #tpu.core_type<sc_vector_subcore>, window_params = [{transform_indices = #map}, {transform_indices = #map1}, {transform_indices = #map2}]} {
    %broadcast_in_dim3A = arith.constant 0.000000e+00 : f32
    %broadcast_in_dim3A_0 = vector.broadcast %broadcast_in_dim3A : f32 to vector<16xf32>
    %swap3A = arith.constant 0 : index
    %swap3A_1 = tpu.vector_load %arg6[%swap3A] {strides = array<i32>} : memref<16xf32, #tpu.memory_space<vmem>>, vector<16xf32>,
    %swap3A_2 = vector.shape_cast %swap3A_1 : vector<16xf32> to vector<16xf32>
    %swap3A_3 = vector.shape_cast %broadcast_in_dim3A_0 : vector<16xf32> to vector<16xf32>
    tpu.vector_store %arg6[%swap3A], %swap3A_3 {strides = array<i32>} : memref<16xf32, #tpu.memory_space<vmem>>, vector<16xf32>,
    %mul3A = arith.constant 1 : i32
    %mul3A_4 = arith.muli %arg1, %mul3A : i32
    %add3A = arith.constant 0 : i32
    %add3A_5 = arith.addi %add3A, %mul3A_4 : i32
    %mul3A_6 = arith.constant 16 : i32
    %mul3A_7 = arith.muli %arg0, %mul3A_6 : i32
    %add3A_8 = arith.addi %add3A_5, %mul3A_7 : i32
    %lt3A = arith.constant 8 : i32
    %lt3A_9 = arith.cmpi slt, %add3A_8, %lt3A : i32
    %jit3A = arith.constant 7 : i32
    %jit3A_10 = arith.constant 6 : i32
    %select_n3A = arith.select %lt3A_9, %jit3A, %jit3A_10 : i32
    %lt3A_11 = arith.constant 8 : i32
    %lt3A_12 = arith.cmpi slt, %add3A_8, %lt3A_11 : i32
    %mul3A_13 = arith.muli %add3A_8, %select_n3A : i32
    %mul3A_14 = arith.constant 6 : i32
    %mul3A_15 = arith.muli %add3A_8, %mul3A_14 : i32
    %add3A_16 = arith.constant 8 : i32
    %add3A_17 = arith.addi %mul3A_15, %add3A_16 : i32
    %select_n3A_18 = arith.select %lt3A_12, %mul3A_13, %add3A_17 : i32
    %mul3A_19 = arith.constant 1 : i32
    %mul3A_20 = arith.muli %mul3A_19, %select_n3A : i32
    "tpu.region"() ({
      %run_scoped3A = memref.alloca() : memref<2x1x512xi32, #tpu.memory_space<vmem>>
      %run_scoped3A_21 = tpu.sem_alloc : memref<2x!tpu.dma_semaphore, #tpu.memory_space<semaphore_mem>>
      %gt3A = arith.constant 0 : i32
      %gt3A_22 = arith.cmpi sgt, %mul3A_20, %gt3A : i32
      %convert_element_type3A = arith.extui %gt3A_22 : i1 to i32
      %cond3A = arith.constant 0 : i32
      %cond3A_23 = arith.cmpi ne, %convert_element_type3A, %cond3A : i32
      scf.if %cond3A_23 {
        %mul3A_24 = arith.constant 1 : i32
        %mul3A_25 = arith.muli %mul3A_24, %select_n3A : i32
        %sub3A = arith.constant 1 : i32
        %sub3A_26 = arith.subi %mul3A_25, %sub3A : i32
        %eq3A = arith.constant 0 : i32
        %eq3A_27 = arith.cmpi eq, %sub3A_26, %eq3A : i32
        %add3A_28 = arith.constant 0 : i32
        %add3A_29 = arith.addi %add3A_28, %select_n3A_18 : i32
        %select_n3A_30 = arith.constant true
        %select_n3A_31 = arith.constant 0 : i32
        %select_n3A_32 = arith.constant -1 : i32
        %select_n3A_33 = arith.select %select_n3A_30, %select_n3A_32, %select_n3A_31 : i32
        %eq3A_34 = arith.constant -1 : i32
        %eq3A_35 = arith.cmpi eq, %select_n3A_33, %eq3A_34 : i32
        %sub3A_36 = arith.constant 1 : i32
        %sub3A_37 = arith.subi %select_n3A, %sub3A_36 : i32
        %select_n3A_38 = arith.select %eq3A_35, %sub3A_37, %select_n3A_33 : i32
        %add3A_39 = arith.addi %select_n3A_38, %select_n3A_18 : i32
        %select_n3A_40 = arith.constant true
        %select_n3A_41 = arith.constant 0 : i32
        %select_n3A_42 = arith.constant 1 : i32
        %select_n3A_43 = arith.select %select_n3A_40, %select_n3A_42, %select_n3A_41 : i32
        %eq3A_44 = arith.cmpi eq, %select_n3A_43, %select_n3A : i32
        %select_n3A_45 = arith.constant 0 : i32
        %select_n3A_46 = arith.select %eq3A_44, %select_n3A_45, %select_n3A_43 : i32
        %add3A_47 = arith.addi %select_n3A_46, %select_n3A_18 : i32
        %add3A_48 = arith.constant 1 : i32
        %add3A_49 = arith.addi %select_n3A_46, %add3A_48 : i32
        %select_n3A_50 = arith.constant true
        %select_n3A_51 = arith.select %select_n3A_50, %add3A_49, %select_n3A_46 : i32
        %eq3A_52 = arith.cmpi eq, %select_n3A_51, %select_n3A : i32
        %select_n3A_53 = arith.constant 0 : i32
        %select_n3A_54 = arith.select %eq3A_52, %select_n3A_53, %select_n3A_51 : i32
        %add3A_55 = arith.addi %select_n3A_54, %select_n3A_18 : i32
        "tpu.trace_start"() <{level = 10 : i32, message = "ep_initialize_0"}> : () -> ()
        %rem3A = arith.constant 0 : i32
        %rem3A_56 = arith.constant 2 : i32
        %rem3A_57 = arith.remui %rem3A, %rem3A_56 : i32
        %mul3A_58 = arith.constant 512 : i32
        %mul3A_59 = arith.muli %mul3A_58, %add3A_29 : i32
        %dma_start3A = arith.constant 0 : i32
        %dma_start3A_60 = arith.constant 0 : i32
        %dma_start3A_61 = tpu.memref_slice %run_scoped3A[%rem3A_57, %dma_start3A, %dma_start3A_60] : memref<2x1x512xi32, #tpu.memory_space<vmem>> -> memref<1x1x512xi32, #tpu.memory_space<vmem>>
        %dma_start3A_62 = tpu.memref_squeeze %dma_start3A_61 : memref<1x1x512xi32, #tpu.memory_space<vmem>> -> memref<1x512xi32, #tpu.memory_space<vmem>>
        %dma_start3A_63 = arith.constant 0 : i32
        %dma_start3A_64 = tpu.memref_slice %arg3[%dma_start3A_63, %mul3A_59] : memref<1x102400xi32, #tpu.memory_space<hbm>> -> memref<1x512xi32, #tpu.memory_space<hbm>>
        %dma_start3A_65 = tpu.memref_slice %run_scoped3A_21[%rem3A_57] : memref<2x!tpu.dma_semaphore, #tpu.memory_space<semaphore_mem>> -> memref<1x!tpu.dma_semaphore, #tpu.memory_space<semaphore_mem>>
        %dma_start3A_66 = tpu.memref_squeeze %dma_start3A_65 : memref<1x!tpu.dma_semaphore, #tpu.memory_space<semaphore_mem>> -> memref<!tpu.dma_semaphore, #tpu.memory_space<semaphore_mem>>
        %dma_start3A_67 = arith.constant 0 : i32
        %dma_start3A_68 = arith.constant 0 : i32
        %dma_start3A_69 = tpu.memref_slice %run_scoped3A[%rem3A_57, %dma_start3A_67, %dma_start3A_68] : memref<2x1x512xi32, #tpu.memory_space<vmem>> -> memref<1x1x512xi32, #tpu.memory_space<vmem>>
        %dma_start3A_70 = tpu.memref_squeeze %dma_start3A_69 : memref<1x1x512xi32, #tpu.memory_space<vmem>> -> memref<1x512xi32, #tpu.memory_space<vmem>>
        %dma_start3A_71 = arith.constant 0 : i32
        %dma_start3A_72 = tpu.memref_slice %arg3[%dma_start3A_71, %mul3A_59] : memref<1x102400xi32, #tpu.memory_space<hbm>> -> memref<1x512xi32, #tpu.memory_space<hbm>>
        tpu.enqueue_dma source(%dma_start3A_72 : memref<1x512xi32, #tpu.memory_space<hbm>>) target(%dma_start3A_70 : memref<1x512xi32, #tpu.memory_space<vmem>>) target_semaphore(%dma_start3A_66 : memref<!tpu.dma_semaphore, #tpu.memory_space<semaphore_mem>>)
        %add3A_73 = arith.constant 0 : i32
        %add3A_74 = arith.constant 1 : i32
        %add3A_75 = arith.addi %add3A_73, %add3A_74 : i32
        %select_n3A_76 = arith.constant true
        %select_n3A_77 = arith.constant 0 : i32
        %select_n3A_78 = arith.select %select_n3A_76, %add3A_75, %select_n3A_77 : i32
        %while3A = arith.constant 0 : i32
        %while3A_79 = arith.constant 0 : i32
        %while3A_80 = arith.constant 0 : i32
        "tpu.trace_stop"() : () -> ()
        %while3A_81 = arith.subi %mul3A_20, %while3A : i32
        %while3A_82 = arith.addi %while3A, %while3A_81 : i32
        %while3A_83 = arith.constant 1 : i32
        %while3A_84 = arith.divsi %while3A_81, %while3A_83 : i32
        %while3A_85 = arith.muli %while3A_84, %while3A_83 : i32
        %while3A_86 = arith.addi %while3A, %while3A_85 : i32
        %while3A_87 = arith.constant 1 : i32
        %while3A_88:3 = scf.for %while3A_139 = %while3A to %while3A_86 step %while3A_87 iter_args(%while3A_140 = %select_n3A_78, %while3A_141 = %while3A_79, %while3A_142 = %while3A_80) -> (i32, i32, i32)  : i32 {
          %mul3A_143 = arith.constant 1 : i32
          %mul3A_144 = arith.muli %mul3A_143, %select_n3A : i32
          %eq3A_145 = arith.constant 0 : i32
          %eq3A_146 = arith.cmpi eq, %while3A_139, %eq3A_145 : i32
          %sub3A_147 = arith.constant 1 : i32
          %sub3A_148 = arith.subi %mul3A_144, %sub3A_147 : i32
          %eq3A_149 = arith.cmpi eq, %while3A_139, %sub3A_148 : i32
          %add3A_150 = arith.addi %while3A_142, %select_n3A_18 : i32
          %sub3A_151 = arith.constant 1 : i32
          %sub3A_152 = arith.subi %while3A_142, %sub3A_151 : i32
          %select_n3A_153 = arith.constant true
          %select_n3A_154 = arith.select %select_n3A_153, %sub3A_152, %while3A_142 : i32
          %eq3A_155 = arith.constant -1 : i32
          %eq3A_156 = arith.cmpi eq, %select_n3A_154, %eq3A_155 : i32
          %sub3A_157 = arith.constant 1 : i32
          %sub3A_158 = arith.subi %select_n3A, %sub3A_157 : i32
          %select_n3A_159 = arith.select %eq3A_156, %sub3A_158, %select_n3A_154 : i32
          %add3A_160 = arith.addi %select_n3A_159, %select_n3A_18 : i32
          %add3A_161 = arith.constant 1 : i32
          %add3A_162 = arith.addi %while3A_142, %add3A_161 : i32
          %select_n3A_163 = arith.constant true
          %select_n3A_164 = arith.select %select_n3A_163, %add3A_162, %while3A_142 : i32
          %eq3A_165 = arith.cmpi eq, %select_n3A_164, %select_n3A : i32
          %select_n3A_166 = arith.constant 0 : i32
          %select_n3A_167 = arith.select %eq3A_165, %select_n3A_166, %select_n3A_164 : i32
          %add3A_168 = arith.addi %select_n3A_167, %select_n3A_18 : i32
          %add3A_169 = arith.constant 1 : i32
          %add3A_170 = arith.addi %select_n3A_167, %add3A_169 : i32
          %select_n3A_171 = arith.constant true
          %select_n3A_172 = arith.select %select_n3A_171, %add3A_170, %select_n3A_167 : i32
          %eq3A_173 = arith.cmpi eq, %select_n3A_172, %select_n3A : i32
          %select_n3A_174 = arith.constant 0 : i32
          %select_n3A_175 = arith.select %eq3A_173, %select_n3A_174, %select_n3A_172 : i32
          %add3A_176 = arith.addi %select_n3A_175, %select_n3A_18 : i32
          %ne3A = arith.cmpi ne, %add3A_150, %add3A_168 : i32
          %or3A = arith.constant false
          %or3A_177 = arith.ori %or3A, %ne3A : i1
          %sub3A_178 = arith.constant 2 : i32
          %sub3A_179 = arith.subi %mul3A_144, %sub3A_178 : i32
          %add3A_180 = arith.constant 1 : i32
          %add3A_181 = arith.addi %sub3A_179, %add3A_180 : i32
          %ge3A = arith.cmpi sge, %while3A_139, %add3A_181 : i32
          %not3A = arith.constant true
          %not3A_182 = arith.xori %ge3A, %not3A : i1
          %and3A = arith.andi %or3A_177, %not3A_182 : i1
          %convert_element_type3A_183 = arith.extui %and3A : i1 to i32
          %cond3A_184 = arith.constant 0 : i32
          %cond3A_185 = arith.cmpi ne, %convert_element_type3A_183, %cond3A_184 : i32
          scf.if %cond3A_185 {
            "tpu.trace_start"() <{level = 10 : i32, message = "ep_copy_in"}> : () -> ()
            %rem3A_239 = arith.constant 2 : i32
            %rem3A_240 = arith.remui %while3A_140, %rem3A_239 : i32
            %mul3A_241 = arith.constant 512 : i32
            %mul3A_242 = arith.muli %mul3A_241, %add3A_168 : i32
            %dma_start3A_243 = arith.constant 0 : i32
            %dma_start3A_244 = arith.constant 0 : i32
            %dma_start3A_245 = tpu.memref_slice %run_scoped3A[%rem3A_240, %dma_start3A_243, %dma_start3A_244] : memref<2x1x512xi32, #tpu.memory_space<vmem>> -> memref<1x1x512xi32, #tpu.memory_space<vmem>>
            %dma_start3A_246 = tpu.memref_squeeze %dma_start3A_245 : memref<1x1x512xi32, #tpu.memory_space<vmem>> -> memref<1x512xi32, #tpu.memory_space<vmem>>
            %dma_start3A_247 = arith.constant 0 : i32
            %dma_start3A_248 = tpu.memref_slice %arg3[%dma_start3A_247, %mul3A_242] : memref<1x102400xi32, #tpu.memory_space<hbm>> -> memref<1x512xi32, #tpu.memory_space<hbm>>
            %dma_start3A_249 = tpu.memref_slice %run_scoped3A_21[%rem3A_240] : memref<2x!tpu.dma_semaphore, #tpu.memory_space<semaphore_mem>> -> memref<1x!tpu.dma_semaphore, #tpu.memory_space<semaphore_mem>>
            %dma_start3A_250 = tpu.memref_squeeze %dma_start3A_249 : memref<1x!tpu.dma_semaphore, #tpu.memory_space<semaphore_mem>> -> memref<!tpu.dma_semaphore, #tpu.memory_space<semaphore_mem>>
            %dma_start3A_251 = arith.constant 0 : i32
            %dma_start3A_252 = arith.constant 0 : i32
            %dma_start3A_253 = tpu.memref_slice %run_scoped3A[%rem3A_240, %dma_start3A_251, %dma_start3A_252] : memref<2x1x512xi32, #tpu.memory_space<vmem>> -> memref<1x1x512xi32, #tpu.memory_space<vmem>>
            %dma_start3A_254 = tpu.memref_squeeze %dma_start3A_253 : memref<1x1x512xi32, #tpu.memory_space<vmem>> -> memref<1x512xi32, #tpu.memory_space<vmem>>
            %dma_start3A_255 = arith.constant 0 : i32
            %dma_start3A_256 = tpu.memref_slice %arg3[%dma_start3A_255, %mul3A_242] : memref<1x102400xi32, #tpu.memory_space<hbm>> -> memref<1x512xi32, #tpu.memory_space<hbm>>
            tpu.enqueue_dma source(%dma_start3A_256 : memref<1x512xi32, #tpu.memory_space<hbm>>) target(%dma_start3A_254 : memref<1x512xi32, #tpu.memory_space<vmem>>) target_semaphore(%dma_start3A_250 : memref<!tpu.dma_semaphore, #tpu.memory_space<semaphore_mem>>)
            "tpu.trace_stop"() : () -> ()
          } else {
          }
          %and3A_186 = arith.constant true
          %and3A_187 = arith.andi %and3A, %and3A_186 : i1
          %add3A_188 = arith.constant 1 : i32
          %add3A_189 = arith.addi %while3A_140, %add3A_188 : i32
          %select_n3A_190 = arith.select %and3A_187, %add3A_189, %while3A_140 : i32
          %ne3A_191 = arith.cmpi ne, %add3A_150, %add3A_160 : i32
          %or3A_192 = arith.constant false
          %or3A_193 = arith.ori %or3A_192, %ne3A_191 : i1
          %or3A_194 = arith.ori %or3A_193, %eq3A_146 : i1
          %convert_element_type3A_195 = arith.extui %or3A_194 : i1 to i32
          %cond3A_196 = arith.constant 0 : i32
          %cond3A_197 = arith.cmpi ne, %convert_element_type3A_195, %cond3A_196 : i32
          scf.if %cond3A_197 {
            "tpu.trace_start"() <{level = 10 : i32, message = "ep_wait_in"}> : () -> ()
            %mul3A_239 = arith.constant 512 : i32
            %mul3A_240 = arith.muli %mul3A_239, %add3A_150 : i32
            %rem3A_241 = arith.constant 2 : i32
            %rem3A_242 = arith.remui %while3A_141, %rem3A_241 : i32
            %dma_wait3A = arith.constant 0 : i32
            %dma_wait3A_243 = arith.constant 0 : i32
            %dma_wait3A_244 = tpu.memref_slice %run_scoped3A[%rem3A_242, %dma_wait3A, %dma_wait3A_243] : memref<2x1x512xi32, #tpu.memory_space<vmem>> -> memref<1x1x512xi32, #tpu.memory_space<vmem>>
            %dma_wait3A_245 = tpu.memref_squeeze %dma_wait3A_244 : memref<1x1x512xi32, #tpu.memory_space<vmem>> -> memref<1x512xi32, #tpu.memory_space<vmem>>
            %dma_wait3A_246 = arith.constant 0 : i32
            %dma_wait3A_247 = tpu.memref_slice %arg3[%dma_wait3A_246, %mul3A_240] : memref<1x102400xi32, #tpu.memory_space<hbm>> -> memref<1x512xi32, #tpu.memory_space<hbm>>
            %dma_wait3A_248 = tpu.memref_slice %run_scoped3A_21[%rem3A_242] : memref<2x!tpu.dma_semaphore, #tpu.memory_space<semaphore_mem>> -> memref<1x!tpu.dma_semaphore, #tpu.memory_space<semaphore_mem>>
            %dma_wait3A_249 = tpu.memref_squeeze %dma_wait3A_248 : memref<1x!tpu.dma_semaphore, #tpu.memory_space<semaphore_mem>> -> memref<!tpu.dma_semaphore, #tpu.memory_space<semaphore_mem>>
            %dma_wait3A_250 = arith.constant 0 : i32
            %dma_wait3A_251 = arith.constant 0 : i32
            %dma_wait3A_252 = tpu.memref_slice %run_scoped3A[%rem3A_242, %dma_wait3A_250, %dma_wait3A_251] : memref<2x1x512xi32, #tpu.memory_space<vmem>> -> memref<1x1x512xi32, #tpu.memory_space<vmem>>
            %dma_wait3A_253 = tpu.memref_squeeze %dma_wait3A_252 : memref<1x1x512xi32, #tpu.memory_space<vmem>> -> memref<1x512xi32, #tpu.memory_space<vmem>>
            %dma_wait3A_254 = arith.constant 0 : i32
            %dma_wait3A_255 = tpu.memref_slice %arg3[%dma_wait3A_254, %mul3A_240] : memref<1x102400xi32, #tpu.memory_space<hbm>> -> memref<1x512xi32, #tpu.memory_space<hbm>>
            tpu.wait_dma2 semaphore(%dma_wait3A_249 : memref<!tpu.dma_semaphore, #tpu.memory_space<semaphore_mem>>) src(%dma_wait3A_255 : memref<1x512xi32, #tpu.memory_space<hbm>>) dst(%dma_wait3A_253 : memref<1x512xi32, #tpu.memory_space<vmem>>)
            "tpu.trace_stop"() : () -> ()
          } else {
          }
          %rem3A_198 = arith.constant 2 : i32
          %rem3A_199 = arith.remui %while3A_141, %rem3A_198 : i32
          %run_scoped3A_200 = arith.constant 0 : i32
          "tpu.trace_start"() <{level = 10 : i32, message = "ep_run_kernel"}> : () -> ()
          "tpu.region"() ({
            %run_scoped3A_239 = tpu.sem_alloc : memref<!tpu.dma_semaphore, #tpu.memory_space<semaphore_mem>>
            %dma_start3A_240 = arith.constant 0 : i32
            %dma_start3A_241 = arith.constant 0 : i32
            %dma_start3A_242 = tpu.memref_slice %run_scoped3A[%rem3A_199, %dma_start3A_240, %dma_start3A_241] : memref<2x1x512xi32, #tpu.memory_space<vmem>> -> memref<1x1x512xi32, #tpu.memory_space<vmem>>
            %dma_start3A_243 = tpu.memref_squeeze %dma_start3A_242 : memref<1x1x512xi32, #tpu.memory_space<vmem>> -> memref<1x512xi32, #tpu.memory_space<vmem>>
            %dma_start3A_244 = arith.constant 0 : i32
            %dma_start3A_245 = tpu.memref_slice %dma_start3A_243[%run_scoped3A_200, %dma_start3A_244] : memref<1x512xi32, #tpu.memory_space<vmem>> -> memref<1x512xi32, #tpu.memory_space<vmem>>
            %dma_start3A_246 = tpu.memref_squeeze %dma_start3A_245 : memref<1x512xi32, #tpu.memory_space<vmem>> -> memref<512xi32, #tpu.memory_space<vmem>>
            %dma_start3A_247 = arith.constant 0 : i32
            %dma_start3A_248 = tpu.memref_slice %arg2[%dma_start3A_247] : memref<1002000xf32, #tpu.memory_space<hbm>> -> memref<1002000xf32, #tpu.memory_space<hbm>>
            tpu.enqueue_indirect_dma source(%dma_start3A_248 : memref<1002000xf32, #tpu.memory_space<hbm>>) target(%arg5 : memref<512xf32, #tpu.memory_space<vmem>>) offsets(%dma_start3A_246 : memref<512xi32, #tpu.memory_space<vmem>>) semaphore(%run_scoped3A_239 : memref<!tpu.dma_semaphore, #tpu.memory_space<semaphore_mem>>)
            %dma_wait3A = arith.constant 0 : i32
            %dma_wait3A_249 = arith.constant 0 : i32
            %dma_wait3A_250 = tpu.memref_slice %run_scoped3A[%rem3A_199, %dma_wait3A, %dma_wait3A_249] : memref<2x1x512xi32, #tpu.memory_space<vmem>> -> memref<1x1x512xi32, #tpu.memory_space<vmem>>
            %dma_wait3A_251 = tpu.memref_squeeze %dma_wait3A_250 : memref<1x1x512xi32, #tpu.memory_space<vmem>> -> memref<1x512xi32, #tpu.memory_space<vmem>>
            %dma_wait3A_252 = arith.constant 0 : i32
            %dma_wait3A_253 = tpu.memref_slice %dma_wait3A_251[%run_scoped3A_200, %dma_wait3A_252] : memref<1x512xi32, #tpu.memory_space<vmem>> -> memref<1x512xi32, #tpu.memory_space<vmem>>
            %dma_wait3A_254 = tpu.memref_squeeze %dma_wait3A_253 : memref<1x512xi32, #tpu.memory_space<vmem>> -> memref<512xi32, #tpu.memory_space<vmem>>
            %dma_wait3A_255 = arith.constant 0 : i32
            %dma_wait3A_256 = tpu.memref_slice %arg2[%dma_wait3A_255] : memref<1002000xf32, #tpu.memory_space<hbm>> -> memref<1002000xf32, #tpu.memory_space<hbm>>
            tpu.wait_indirect_dma semaphore(%run_scoped3A_239 : memref<!tpu.dma_semaphore, #tpu.memory_space<semaphore_mem>>) src(%dma_wait3A_256 : memref<1002000xf32, #tpu.memory_space<hbm>>) dst(%arg5 : memref<512xf32, #tpu.memory_space<vmem>>)
            tpu.yield
          }) : () -> ()
          %scan3A = arith.constant 0 : i32
          %scan3A_201 = arith.constant 32 : i32
          %scan3A_202 = arith.addi %scan3A, %scan3A_201 : i32
          %scan3A_203 = arith.constant 1 : i32
          scf.for %scan3A_239 = %scan3A to %scan3A_202 step %scan3A_203  : i32 {
            %mul3A_240 = arith.constant 16 : i32
            %mul3A_241 = arith.muli %scan3A_239, %mul3A_240 : i32
            %add3A_242 = arith.constant 0 : i32
            %add3A_243 = arith.addi %add3A_242, %mul3A_241 : i32
            %get3A = arith.constant 0 : index
            %get3A_244 = tpu.vector_load %arg6[%get3A] {strides = array<i32>} : memref<16xf32, #tpu.memory_space<vmem>>, vector<16xf32>,
            %get3A_245 = vector.shape_cast %get3A_244 : vector<16xf32> to vector<16xf32>
            %get3A_246 = arith.index_cast %add3A_243 : i32 to index
            %get3A_247 = tpu.vector_load %arg5[%get3A_246] {strides = array<i32>} : memref<512xf32, #tpu.memory_space<vmem>>, vector<16xf32>,
            %get3A_248 = vector.shape_cast %get3A_247 : vector<16xf32> to vector<16xf32>
            %add3A_249 = arith.addf %get3A_245, %get3A_248 : vector<16xf32>
            %swap3A_250 = arith.constant 0 : index
            %swap3A_251 = tpu.vector_load %arg6[%swap3A_250] {strides = array<i32>} : memref<16xf32, #tpu.memory_space<vmem>>, vector<16xf32>,
            %swap3A_252 = vector.shape_cast %swap3A_251 : vector<16xf32> to vector<16xf32>
            %swap3A_253 = vector.shape_cast %add3A_249 : vector<16xf32> to vector<16xf32>
            tpu.vector_store %arg6[%swap3A_250], %swap3A_253 {strides = array<i32>} : memref<16xf32, #tpu.memory_space<vmem>>, vector<16xf32>,
          }
          %scan3A_204 = arith.constant 32 : i32
          "tpu.trace_stop"() : () -> ()
          %ne3A_205 = arith.cmpi ne, %add3A_150, %add3A_168 : i32
          %or3A_206 = arith.constant false
          %or3A_207 = arith.ori %or3A_206, %ne3A_205 : i1
          %or3A_208 = arith.ori %or3A_207, %eq3A_149 : i1
          %convert_element_type3A_209 = arith.extui %or3A_208 : i1 to i32
          %cond3A_210 = arith.constant 0 : i32
          %cond3A_211 = arith.cmpi ne, %convert_element_type3A_209, %cond3A_210 : i32
          scf.if %cond3A_211 {
          } else {
          }
          %and3A_212 = arith.constant false
          %and3A_213 = arith.andi %or3A_208, %and3A_212 : i1
          %ne3A_214 = arith.cmpi ne, %add3A_150, %add3A_160 : i32
          %or3A_215 = arith.constant false
          %or3A_216 = arith.ori %or3A_215, %ne3A_214 : i1
          %not3A_217 = arith.constant true
          %not3A_218 = arith.xori %eq3A_146, %not3A_217 : i1
          %and3A_219 = arith.andi %or3A_216, %not3A_218 : i1
          %convert_element_type3A_220 = arith.extui %and3A_219 : i1 to i32
          %cond3A_221 = arith.constant 0 : i32
          %cond3A_222 = arith.cmpi ne, %convert_element_type3A_220, %cond3A_221 : i32
          scf.if %cond3A_222 {
          } else {
          }
          %and3A_223 = arith.constant false
          %and3A_224 = arith.andi %and3A_219, %and3A_223 : i1
          %ne3A_225 = arith.cmpi ne, %add3A_150, %add3A_168 : i32
          %or3A_226 = arith.constant false
          %or3A_227 = arith.ori %or3A_226, %ne3A_225 : i1
          %or3A_228 = arith.ori %or3A_227, %eq3A_149 : i1
          %add3A_229 = arith.constant 1 : i32
          %add3A_230 = arith.addi %while3A_141, %add3A_229 : i32
          %select_n3A_231 = arith.select %or3A_228, %add3A_230, %while3A_141 : i32
          %add3A_232 = arith.constant 1 : i32
          %add3A_233 = arith.addi %while3A_142, %add3A_232 : i32
          %select_n3A_234 = arith.constant true
          %select_n3A_235 = arith.select %select_n3A_234, %add3A_233, %while3A_142 : i32
          %eq3A_236 = arith.cmpi eq, %select_n3A_235, %select_n3A : i32
          %select_n3A_237 = arith.constant 0 : i32
          %select_n3A_238 = arith.select %eq3A_236, %select_n3A_237, %select_n3A_235 : i32
          scf.yield %select_n3A_190, %select_n3A_231, %select_n3A_238 : i32, i32, i32
        }
        %while3A_89 = arith.constant 1 : i32
        %while3A_90:3 = scf.for %while3A_139 = %while3A_86 to %while3A_82 step %while3A_89 iter_args(%while3A_140 = %while3A_88#0, %while3A_141 = %while3A_88#1, %while3A_142 = %while3A_88#2) -> (i32, i32, i32)  : i32 {
          %mul3A_143 = arith.constant 1 : i32
          %mul3A_144 = arith.muli %mul3A_143, %select_n3A : i32
          %eq3A_145 = arith.constant 0 : i32
          %eq3A_146 = arith.cmpi eq, %while3A_139, %eq3A_145 : i32
          %sub3A_147 = arith.constant 1 : i32
          %sub3A_148 = arith.subi %mul3A_144, %sub3A_147 : i32
          %eq3A_149 = arith.cmpi eq, %while3A_139, %sub3A_148 : i32
          %add3A_150 = arith.addi %while3A_142, %select_n3A_18 : i32
          %sub3A_151 = arith.constant 1 : i32
          %sub3A_152 = arith.subi %while3A_142, %sub3A_151 : i32
          %select_n3A_153 = arith.constant true
          %select_n3A_154 = arith.select %select_n3A_153, %sub3A_152, %while3A_142 : i32
          %eq3A_155 = arith.constant -1 : i32
          %eq3A_156 = arith.cmpi eq, %select_n3A_154, %eq3A_155 : i32
          %sub3A_157 = arith.constant 1 : i32
          %sub3A_158 = arith.subi %select_n3A, %sub3A_157 : i32
          %select_n3A_159 = arith.select %eq3A_156, %sub3A_158, %select_n3A_154 : i32
          %add3A_160 = arith.addi %select_n3A_159, %select_n3A_18 : i32
          %add3A_161 = arith.constant 1 : i32
          %add3A_162 = arith.addi %while3A_142, %add3A_161 : i32
          %select_n3A_163 = arith.constant true
          %select_n3A_164 = arith.select %select_n3A_163, %add3A_162, %while3A_142 : i32
          %eq3A_165 = arith.cmpi eq, %select_n3A_164, %select_n3A : i32
          %select_n3A_166 = arith.constant 0 : i32
          %select_n3A_167 = arith.select %eq3A_165, %select_n3A_166, %select_n3A_164 : i32
          %add3A_168 = arith.addi %select_n3A_167, %select_n3A_18 : i32
          %add3A_169 = arith.constant 1 : i32
          %add3A_170 = arith.addi %select_n3A_167, %add3A_169 : i32
          %select_n3A_171 = arith.constant true
          %select_n3A_172 = arith.select %select_n3A_171, %add3A_170, %select_n3A_167 : i32
          %eq3A_173 = arith.cmpi eq, %select_n3A_172, %select_n3A : i32
          %select_n3A_174 = arith.constant 0 : i32
          %select_n3A_175 = arith.select %eq3A_173, %select_n3A_174, %select_n3A_172 : i32
          %add3A_176 = arith.addi %select_n3A_175, %select_n3A_18 : i32
          %ne3A = arith.cmpi ne, %add3A_150, %add3A_168 : i32
          %or3A = arith.constant false
          %or3A_177 = arith.ori %or3A, %ne3A : i1
          %sub3A_178 = arith.constant 2 : i32
          %sub3A_179 = arith.subi %mul3A_144, %sub3A_178 : i32
          %add3A_180 = arith.constant 1 : i32
          %add3A_181 = arith.addi %sub3A_179, %add3A_180 : i32
          %ge3A = arith.cmpi sge, %while3A_139, %add3A_181 : i32
          %not3A = arith.constant true
          %not3A_182 = arith.xori %ge3A, %not3A : i1
          %and3A = arith.andi %or3A_177, %not3A_182 : i1
          %convert_element_type3A_183 = arith.extui %and3A : i1 to i32
          %cond3A_184 = arith.constant 0 : i32
          %cond3A_185 = arith.cmpi ne, %convert_element_type3A_183, %cond3A_184 : i32
          scf.if %cond3A_185 {
            "tpu.trace_start"() <{level = 10 : i32, message = "ep_copy_in"}> : () -> ()
            %rem3A_239 = arith.constant 2 : i32
            %rem3A_240 = arith.remui %while3A_140, %rem3A_239 : i32
            %mul3A_241 = arith.constant 512 : i32
            %mul3A_242 = arith.muli %mul3A_241, %add3A_168 : i32
            %dma_start3A_243 = arith.constant 0 : i32
            %dma_start3A_244 = arith.constant 0 : i32
            %dma_start3A_245 = tpu.memref_slice %run_scoped3A[%rem3A_240, %dma_start3A_243, %dma_start3A_244] : memref<2x1x512xi32, #tpu.memory_space<vmem>> -> memref<1x1x512xi32, #tpu.memory_space<vmem>>
            %dma_start3A_246 = tpu.memref_squeeze %dma_start3A_245 : memref<1x1x512xi32, #tpu.memory_space<vmem>> -> memref<1x512xi32, #tpu.memory_space<vmem>>
            %dma_start3A_247 = arith.constant 0 : i32
            %dma_start3A_248 = tpu.memref_slice %arg3[%dma_start3A_247, %mul3A_242] : memref<1x102400xi32, #tpu.memory_space<hbm>> -> memref<1x512xi32, #tpu.memory_space<hbm>>
            %dma_start3A_249 = tpu.memref_slice %run_scoped3A_21[%rem3A_240] : memref<2x!tpu.dma_semaphore, #tpu.memory_space<semaphore_mem>> -> memref<1x!tpu.dma_semaphore, #tpu.memory_space<semaphore_mem>>
            %dma_start3A_250 = tpu.memref_squeeze %dma_start3A_249 : memref<1x!tpu.dma_semaphore, #tpu.memory_space<semaphore_mem>> -> memref<!tpu.dma_semaphore, #tpu.memory_space<semaphore_mem>>
            %dma_start3A_251 = arith.constant 0 : i32
            %dma_start3A_252 = arith.constant 0 : i32
            %dma_start3A_253 = tpu.memref_slice %run_scoped3A[%rem3A_240, %dma_start3A_251, %dma_start3A_252] : memref<2x1x512xi32, #tpu.memory_space<vmem>> -> memref<1x1x512xi32, #tpu.memory_space<vmem>>
            %dma_start3A_254 = tpu.memref_squeeze %dma_start3A_253 : memref<1x1x512xi32, #tpu.memory_space<vmem>> -> memref<1x512xi32, #tpu.memory_space<vmem>>
            %dma_start3A_255 = arith.constant 0 : i32
            %dma_start3A_256 = tpu.memref_slice %arg3[%dma_start3A_255, %mul3A_242] : memref<1x102400xi32, #tpu.memory_space<hbm>> -> memref<1x512xi32, #tpu.memory_space<hbm>>
            tpu.enqueue_dma source(%dma_start3A_256 : memref<1x512xi32, #tpu.memory_space<hbm>>) target(%dma_start3A_254 : memref<1x512xi32, #tpu.memory_space<vmem>>) target_semaphore(%dma_start3A_250 : memref<!tpu.dma_semaphore, #tpu.memory_space<semaphore_mem>>)
            "tpu.trace_stop"() : () -> ()
          } else {
          }
          %and3A_186 = arith.constant true
          %and3A_187 = arith.andi %and3A, %and3A_186 : i1
          %add3A_188 = arith.constant 1 : i32
          %add3A_189 = arith.addi %while3A_140, %add3A_188 : i32
          %select_n3A_190 = arith.select %and3A_187, %add3A_189, %while3A_140 : i32
          %ne3A_191 = arith.cmpi ne, %add3A_150, %add3A_160 : i32
          %or3A_192 = arith.constant false
          %or3A_193 = arith.ori %or3A_192, %ne3A_191 : i1
          %or3A_194 = arith.ori %or3A_193, %eq3A_146 : i1
          %convert_element_type3A_195 = arith.extui %or3A_194 : i1 to i32
          %cond3A_196 = arith.constant 0 : i32
          %cond3A_197 = arith.cmpi ne, %convert_element_type3A_195, %cond3A_196 : i32
          scf.if %cond3A_197 {
            "tpu.trace_start"() <{level = 10 : i32, message = "ep_wait_in"}> : () -> ()
            %mul3A_239 = arith.constant 512 : i32
            %mul3A_240 = arith.muli %mul3A_239, %add3A_150 : i32
            %rem3A_241 = arith.constant 2 : i32
            %rem3A_242 = arith.remui %while3A_141, %rem3A_241 : i32
            %dma_wait3A = arith.constant 0 : i32
            %dma_wait3A_243 = arith.constant 0 : i32
            %dma_wait3A_244 = tpu.memref_slice %run_scoped3A[%rem3A_242, %dma_wait3A, %dma_wait3A_243] : memref<2x1x512xi32, #tpu.memory_space<vmem>> -> memref<1x1x512xi32, #tpu.memory_space<vmem>>
            %dma_wait3A_245 = tpu.memref_squeeze %dma_wait3A_244 : memref<1x1x512xi32, #tpu.memory_space<vmem>> -> memref<1x512xi32, #tpu.memory_space<vmem>>
            %dma_wait3A_246 = arith.constant 0 : i32
            %dma_wait3A_247 = tpu.memref_slice %arg3[%dma_wait3A_246, %mul3A_240] : memref<1x102400xi32, #tpu.memory_space<hbm>> -> memref<1x512xi32, #tpu.memory_space<hbm>>
            %dma_wait3A_248 = tpu.memref_slice %run_scoped3A_21[%rem3A_242] : memref<2x!tpu.dma_semaphore, #tpu.memory_space<semaphore_mem>> -> memref<1x!tpu.dma_semaphore, #tpu.memory_space<semaphore_mem>>
            %dma_wait3A_249 = tpu.memref_squeeze %dma_wait3A_248 : memref<1x!tpu.dma_semaphore, #tpu.memory_space<semaphore_mem>> -> memref<!tpu.dma_semaphore, #tpu.memory_space<semaphore_mem>>
            %dma_wait3A_250 = arith.constant 0 : i32
            %dma_wait3A_251 = arith.constant 0 : i32
            %dma_wait3A_252 = tpu.memref_slice %run_scoped3A[%rem3A_242, %dma_wait3A_250, %dma_wait3A_251] : memref<2x1x512xi32, #tpu.memory_space<vmem>> -> memref<1x1x512xi32, #tpu.memory_space<vmem>>
            %dma_wait3A_253 = tpu.memref_squeeze %dma_wait3A_252 : memref<1x1x512xi32, #tpu.memory_space<vmem>> -> memref<1x512xi32, #tpu.memory_space<vmem>>
            %dma_wait3A_254 = arith.constant 0 : i32
            %dma_wait3A_255 = tpu.memref_slice %arg3[%dma_wait3A_254, %mul3A_240] : memref<1x102400xi32, #tpu.memory_space<hbm>> -> memref<1x512xi32, #tpu.memory_space<hbm>>
            tpu.wait_dma2 semaphore(%dma_wait3A_249 : memref<!tpu.dma_semaphore, #tpu.memory_space<semaphore_mem>>) src(%dma_wait3A_255 : memref<1x512xi32, #tpu.memory_space<hbm>>) dst(%dma_wait3A_253 : memref<1x512xi32, #tpu.memory_space<vmem>>)
            "tpu.trace_stop"() : () -> ()
          } else {
          }
          %rem3A_198 = arith.constant 2 : i32
          %rem3A_199 = arith.remui %while3A_141, %rem3A_198 : i32
          %run_scoped3A_200 = arith.constant 0 : i32
          "tpu.trace_start"() <{level = 10 : i32, message = "ep_run_kernel"}> : () -> ()
          "tpu.region"() ({
            %run_scoped3A_239 = tpu.sem_alloc : memref<!tpu.dma_semaphore, #tpu.memory_space<semaphore_mem>>
            %dma_start3A_240 = arith.constant 0 : i32
            %dma_start3A_241 = arith.constant 0 : i32
            %dma_start3A_242 = tpu.memref_slice %run_scoped3A[%rem3A_199, %dma_start3A_240, %dma_start3A_241] : memref<2x1x512xi32, #tpu.memory_space<vmem>> -> memref<1x1x512xi32, #tpu.memory_space<vmem>>
            %dma_start3A_243 = tpu.memref_squeeze %dma_start3A_242 : memref<1x1x512xi32, #tpu.memory_space<vmem>> -> memref<1x512xi32, #tpu.memory_space<vmem>>
            %dma_start3A_244 = arith.constant 0 : i32
            %dma_start3A_245 = tpu.memref_slice %dma_start3A_243[%run_scoped3A_200, %dma_start3A_244] : memref<1x512xi32, #tpu.memory_space<vmem>> -> memref<1x512xi32, #tpu.memory_space<vmem>>
            %dma_start3A_246 = tpu.memref_squeeze %dma_start3A_245 : memref<1x512xi32, #tpu.memory_space<vmem>> -> memref<512xi32, #tpu.memory_space<vmem>>
            %dma_start3A_247 = arith.constant 0 : i32
            %dma_start3A_248 = tpu.memref_slice %arg2[%dma_start3A_247] : memref<1002000xf32, #tpu.memory_space<hbm>> -> memref<1002000xf32, #tpu.memory_space<hbm>>
            tpu.enqueue_indirect_dma source(%dma_start3A_248 : memref<1002000xf32, #tpu.memory_space<hbm>>) target(%arg5 : memref<512xf32, #tpu.memory_space<vmem>>) offsets(%dma_start3A_246 : memref<512xi32, #tpu.memory_space<vmem>>) semaphore(%run_scoped3A_239 : memref<!tpu.dma_semaphore, #tpu.memory_space<semaphore_mem>>)
            %dma_wait3A = arith.constant 0 : i32
            %dma_wait3A_249 = arith.constant 0 : i32
            %dma_wait3A_250 = tpu.memref_slice %run_scoped3A[%rem3A_199, %dma_wait3A, %dma_wait3A_249] : memref<2x1x512xi32, #tpu.memory_space<vmem>> -> memref<1x1x512xi32, #tpu.memory_space<vmem>>
            %dma_wait3A_251 = tpu.memref_squeeze %dma_wait3A_250 : memref<1x1x512xi32, #tpu.memory_space<vmem>> -> memref<1x512xi32, #tpu.memory_space<vmem>>
            %dma_wait3A_252 = arith.constant 0 : i32
            %dma_wait3A_253 = tpu.memref_slice %dma_wait3A_251[%run_scoped3A_200, %dma_wait3A_252] : memref<1x512xi32, #tpu.memory_space<vmem>> -> memref<1x512xi32, #tpu.memory_space<vmem>>
            %dma_wait3A_254 = tpu.memref_squeeze %dma_wait3A_253 : memref<1x512xi32, #tpu.memory_space<vmem>> -> memref<512xi32, #tpu.memory_space<vmem>>
            %dma_wait3A_255 = arith.constant 0 : i32
            %dma_wait3A_256 = tpu.memref_slice %arg2[%dma_wait3A_255] : memref<1002000xf32, #tpu.memory_space<hbm>> -> memref<1002000xf32, #tpu.memory_space<hbm>>
            tpu.wait_indirect_dma semaphore(%run_scoped3A_239 : memref<!tpu.dma_semaphore, #tpu.memory_space<semaphore_mem>>) src(%dma_wait3A_256 : memref<1002000xf32, #tpu.memory_space<hbm>>) dst(%arg5 : memref<512xf32, #tpu.memory_space<vmem>>)
            tpu.yield
          }) : () -> ()
          %scan3A = arith.constant 0 : i32
          %scan3A_201 = arith.constant 32 : i32
          %scan3A_202 = arith.addi %scan3A, %scan3A_201 : i32
          %scan3A_203 = arith.constant 1 : i32
          scf.for %scan3A_239 = %scan3A to %scan3A_202 step %scan3A_203  : i32 {
            %mul3A_240 = arith.constant 16 : i32
            %mul3A_241 = arith.muli %scan3A_239, %mul3A_240 : i32
            %add3A_242 = arith.constant 0 : i32
            %add3A_243 = arith.addi %add3A_242, %mul3A_241 : i32
            %get3A = arith.constant 0 : index
            %get3A_244 = tpu.vector_load %arg6[%get3A] {strides = array<i32>} : memref<16xf32, #tpu.memory_space<vmem>>, vector<16xf32>,
            %get3A_245 = vector.shape_cast %get3A_244 : vector<16xf32> to vector<16xf32>
            %get3A_246 = arith.index_cast %add3A_243 : i32 to index
            %get3A_247 = tpu.vector_load %arg5[%get3A_246] {strides = array<i32>} : memref<512xf32, #tpu.memory_space<vmem>>, vector<16xf32>,
            %get3A_248 = vector.shape_cast %get3A_247 : vector<16xf32> to vector<16xf32>
            %add3A_249 = arith.addf %get3A_245, %get3A_248 : vector<16xf32>
            %swap3A_250 = arith.constant 0 : index
            %swap3A_251 = tpu.vector_load %arg6[%swap3A_250] {strides = array<i32>} : memref<16xf32, #tpu.memory_space<vmem>>, vector<16xf32>,
            %swap3A_252 = vector.shape_cast %swap3A_251 : vector<16xf32> to vector<16xf32>
            %swap3A_253 = vector.shape_cast %add3A_249 : vector<16xf32> to vector<16xf32>
            tpu.vector_store %arg6[%swap3A_250], %swap3A_253 {strides = array<i32>} : memref<16xf32, #tpu.memory_space<vmem>>, vector<16xf32>,
          }
          %scan3A_204 = arith.constant 32 : i32
          "tpu.trace_stop"() : () -> ()
          %ne3A_205 = arith.cmpi ne, %add3A_150, %add3A_168 : i32
          %or3A_206 = arith.constant false
          %or3A_207 = arith.ori %or3A_206, %ne3A_205 : i1
          %or3A_208 = arith.ori %or3A_207, %eq3A_149 : i1
          %convert_element_type3A_209 = arith.extui %or3A_208 : i1 to i32
          %cond3A_210 = arith.constant 0 : i32
          %cond3A_211 = arith.cmpi ne, %convert_element_type3A_209, %cond3A_210 : i32
          scf.if %cond3A_211 {
          } else {
          }
          %and3A_212 = arith.constant false
          %and3A_213 = arith.andi %or3A_208, %and3A_212 : i1
          %ne3A_214 = arith.cmpi ne, %add3A_150, %add3A_160 : i32
          %or3A_215 = arith.constant false
          %or3A_216 = arith.ori %or3A_215, %ne3A_214 : i1
          %not3A_217 = arith.constant true
          %not3A_218 = arith.xori %eq3A_146, %not3A_217 : i1
          %and3A_219 = arith.andi %or3A_216, %not3A_218 : i1
          %convert_element_type3A_220 = arith.extui %and3A_219 : i1 to i32
          %cond3A_221 = arith.constant 0 : i32
          %cond3A_222 = arith.cmpi ne, %convert_element_type3A_220, %cond3A_221 : i32
          scf.if %cond3A_222 {
          } else {
          }
          %and3A_223 = arith.constant false
          %and3A_224 = arith.andi %and3A_219, %and3A_223 : i1
          %ne3A_225 = arith.cmpi ne, %add3A_150, %add3A_168 : i32
          %or3A_226 = arith.constant false
          %or3A_227 = arith.ori %or3A_226, %ne3A_225 : i1
          %or3A_228 = arith.ori %or3A_227, %eq3A_149 : i1
          %add3A_229 = arith.constant 1 : i32
          %add3A_230 = arith.addi %while3A_141, %add3A_229 : i32
          %select_n3A_231 = arith.select %or3A_228, %add3A_230, %while3A_141 : i32
          %add3A_232 = arith.constant 1 : i32
          %add3A_233 = arith.addi %while3A_142, %add3A_232 : i32
          %select_n3A_234 = arith.constant true
          %select_n3A_235 = arith.select %select_n3A_234, %add3A_233, %while3A_142 : i32
          %eq3A_236 = arith.cmpi eq, %select_n3A_235, %select_n3A : i32
          %select_n3A_237 = arith.constant 0 : i32
          %select_n3A_238 = arith.select %eq3A_236, %select_n3A_237, %select_n3A_235 : i32
          scf.yield %select_n3A_190, %select_n3A_231, %select_n3A_238 : i32, i32, i32
        }
        %sub3A_91 = arith.constant 1 : i32
        %sub3A_92 = arith.subi %while3A_90#2, %sub3A_91 : i32
        %select_n3A_93 = arith.constant true
        %select_n3A_94 = arith.select %select_n3A_93, %sub3A_92, %while3A_90#2 : i32
        %eq3A_95 = arith.constant -1 : i32
        %eq3A_96 = arith.cmpi eq, %select_n3A_94, %eq3A_95 : i32
        %sub3A_97 = arith.constant 1 : i32
        %sub3A_98 = arith.subi %select_n3A, %sub3A_97 : i32
        %select_n3A_99 = arith.select %eq3A_96, %sub3A_98, %select_n3A_94 : i32
        %sub3A_100 = arith.constant 1 : i32
        %sub3A_101 = arith.subi %mul3A_20, %sub3A_100 : i32
        %mul3A_102 = arith.constant 1 : i32
        %mul3A_103 = arith.muli %mul3A_102, %select_n3A : i32
        %eq3A_104 = arith.constant 0 : i32
        %eq3A_105 = arith.cmpi eq, %sub3A_101, %eq3A_104 : i32
        %sub3A_106 = arith.constant 1 : i32
        %sub3A_107 = arith.subi %mul3A_103, %sub3A_106 : i32
        %eq3A_108 = arith.cmpi eq, %sub3A_101, %sub3A_107 : i32
        %add3A_109 = arith.addi %select_n3A_99, %select_n3A_18 : i32
        %sub3A_110 = arith.constant 1 : i32
        %sub3A_111 = arith.subi %select_n3A_99, %sub3A_110 : i32
        %select_n3A_112 = arith.constant true
        %select_n3A_113 = arith.select %select_n3A_112, %sub3A_111, %select_n3A_99 : i32
        %eq3A_114 = arith.constant -1 : i32
        %eq3A_115 = arith.cmpi eq, %select_n3A_113, %eq3A_114 : i32
        %sub3A_116 = arith.constant 1 : i32
        %sub3A_117 = arith.subi %select_n3A, %sub3A_116 : i32
        %select_n3A_118 = arith.select %eq3A_115, %sub3A_117, %select_n3A_113 : i32
        %add3A_119 = arith.addi %select_n3A_118, %select_n3A_18 : i32
        %add3A_120 = arith.constant 1 : i32
        %add3A_121 = arith.addi %select_n3A_99, %add3A_120 : i32
        %select_n3A_122 = arith.constant true
        %select_n3A_123 = arith.select %select_n3A_122, %add3A_121, %select_n3A_99 : i32
        %eq3A_124 = arith.cmpi eq, %select_n3A_123, %select_n3A : i32
        %select_n3A_125 = arith.constant 0 : i32
        %select_n3A_126 = arith.select %eq3A_124, %select_n3A_125, %select_n3A_123 : i32
        %add3A_127 = arith.addi %select_n3A_126, %select_n3A_18 : i32
        %add3A_128 = arith.constant 1 : i32
        %add3A_129 = arith.addi %select_n3A_126, %add3A_128 : i32
        %select_n3A_130 = arith.constant true
        %select_n3A_131 = arith.select %select_n3A_130, %add3A_129, %select_n3A_126 : i32
        %eq3A_132 = arith.cmpi eq, %select_n3A_131, %select_n3A : i32
        %select_n3A_133 = arith.constant 0 : i32
        %select_n3A_134 = arith.select %eq3A_132, %select_n3A_133, %select_n3A_131 : i32
        %add3A_135 = arith.addi %select_n3A_134, %select_n3A_18 : i32
        %convert_element_type3A_136 = arith.extui %eq3A_108 : i1 to i32
        %cond3A_137 = arith.constant 0 : i32
        %cond3A_138 = arith.cmpi ne, %convert_element_type3A_136, %cond3A_137 : i32
        scf.if %cond3A_138 {
        } else {
        }
      } else {
      }
      tpu.yield
    }) : () -> ()
    "tpu.region"() ({
      %run_scoped3A = tpu.sem_alloc : memref<!tpu.dma_semaphore, #tpu.memory_space<semaphore_mem>>
      %dma_start3A = arith.constant 0 : i32
      %dma_start3A_21 = tpu.memref_slice %arg4[%arg0, %arg1, %dma_start3A] : memref<2x16x16xf32, #tpu.memory_space<hbm>> -> memref<1x1x16xf32, #tpu.memory_space<hbm>>
      %dma_start3A_22 = tpu.memref_squeeze %dma_start3A_21 : memref<1x1x16xf32, #tpu.memory_space<hbm>> -> memref<16xf32, #tpu.memory_space<hbm>>
      %dma_start3A_23 = arith.constant 0 : i32
      %dma_start3A_24 = tpu.memref_slice %arg4[%arg0, %arg1, %dma_start3A_23] : memref<2x16x16xf32, #tpu.memory_space<hbm>> -> memref<1x1x16xf32, #tpu.memory_space<hbm>>
      %dma_start3A_25 = tpu.memref_squeeze %dma_start3A_24 : memref<1x1x16xf32, #tpu.memory_space<hbm>> -> memref<16xf32, #tpu.memory_space<hbm>>
      tpu.enqueue_dma source(%arg6 : memref<16xf32, #tpu.memory_space<vmem>>) target(%dma_start3A_25 : memref<16xf32, #tpu.memory_space<hbm>>) target_semaphore(%run_scoped3A : memref<!tpu.dma_semaphore, #tpu.memory_space<semaphore_mem>>)
      %dma_wait3A = arith.constant 0 : i32
      %dma_wait3A_26 = tpu.memref_slice %arg4[%arg0, %arg1, %dma_wait3A] : memref<2x16x16xf32, #tpu.memory_space<hbm>> -> memref<1x1x16xf32, #tpu.memory_space<hbm>>
      %dma_wait3A_27 = tpu.memref_squeeze %dma_wait3A_26 : memref<1x1x16xf32, #tpu.memory_space<hbm>> -> memref<16xf32, #tpu.memory_space<hbm>>
      %dma_wait3A_28 = arith.constant 0 : i32
      %dma_wait3A_29 = tpu.memref_slice %arg4[%arg0, %arg1, %dma_wait3A_28] : memref<2x16x16xf32, #tpu.memory_space<hbm>> -> memref<1x1x16xf32, #tpu.memory_space<hbm>>
      %dma_wait3A_30 = tpu.memref_squeeze %dma_wait3A_29 : memref<1x1x16xf32, #tpu.memory_space<hbm>> -> memref<16xf32, #tpu.memory_space<hbm>>
      tpu.wait_dma2 semaphore(%run_scoped3A : memref<!tpu.dma_semaphore, #tpu.memory_space<semaphore_mem>>) src(%arg6 : memref<16xf32, #tpu.memory_space<vmem>>) dst(%dma_wait3A_30 : memref<16xf32, #tpu.memory_space<hbm>>)
      tpu.yield
    }) : () -> ()
    return
  }
}

module attributes {stable_mosaic.version = 14 : i64} {
  func.func @_prep_kernel(%arg0: memref<1000x1000xf32, #tpu.memory_space<vmem>>, %arg1: memref<1000x1000xbf16, #tpu.memory_space<vmem>>, %arg2: memref<1002x1000xf32, #tpu.memory_space<vmem>>) attributes {dimension_semantics = [], scalar_prefetch = 0 : i64, scratch_operands = 0 : i64, tpu.core_type = #tpu.core_type<tc>} {
    %get3A = arith.constant 0 : index
    %get3A_0 = arith.constant 0 : index
    %get3A_1 = vector.load %arg0[%get3A, %get3A_0] : memref<1000x1000xf32, #tpu.memory_space<vmem>>, vector<1000x1000xf32>
    %reduce_max3A = arith.constant dense<0xFF800000> : vector<1000xf32>
    %reduce_max3A_2 = vector.multi_reduction <maximumf>, %get3A_1, %reduce_max3A [1] : vector<1000x1000xf32> to vector<1000xf32>
    %broadcast_in_dim3A = vector.shape_cast %reduce_max3A_2 : vector<1000xf32> to vector<1000x1xf32>
    %sub3A = vector.broadcast %broadcast_in_dim3A : vector<1000x1xf32> to vector<1000x1000xf32>
    %sub3A_3 = arith.subf %get3A_1, %sub3A : vector<1000x1000xf32>
    %exp3A = math.exp %sub3A_3 : vector<1000x1000xf32>
    %reduce_sum3A = arith.constant dense<0.000000e+00> : vector<1000xf32>
    %reduce_sum3A_4 = vector.multi_reduction <add>, %exp3A, %reduce_sum3A [1] : vector<1000x1000xf32> to vector<1000xf32>
    %broadcast_in_dim3A_5 = vector.shape_cast %reduce_sum3A_4 : vector<1000xf32> to vector<1000x1xf32>
    %log3A = math.log %broadcast_in_dim3A_5 : vector<1000x1xf32>
    %add3A = arith.addf %broadcast_in_dim3A, %log3A : vector<1000x1xf32>
    %convert_element_type3A = arith.truncf %get3A_1 : vector<1000x1000xf32> to vector<1000x1000xbf16>
    %transpose3A = tpu.transpose %convert_element_type3A, [1, 0] : vector<1000x1000xbf16> -> vector<1000x1000xbf16>
    %swap3A = arith.constant 0 : index
    %swap3A_6 = arith.constant 0 : index
    %swap3A_7 = vector.load %arg1[%swap3A, %swap3A_6] : memref<1000x1000xbf16, #tpu.memory_space<vmem>>, vector<1000x1000xbf16>
    tpu.vector_store %arg1[%swap3A, %swap3A_6], %transpose3A {strides = array<i32>} : memref<1000x1000xbf16, #tpu.memory_space<vmem>>, vector<1000x1000xbf16>,
    %neg3A = arith.constant 0.000000e+00 : f32
    %neg3A_8 = vector.broadcast %neg3A : f32 to vector<1000x1000xf32>
    %neg3A_9 = arith.subf %neg3A_8, %get3A_1 : vector<1000x1000xf32>
    %swap3A_10 = arith.constant 0 : index
    %swap3A_11 = arith.constant 0 : index
    %swap3A_12 = vector.load %arg2[%swap3A_10, %swap3A_11] : memref<1002x1000xf32, #tpu.memory_space<vmem>>, vector<1000x1000xf32>
    tpu.vector_store %arg2[%swap3A_10, %swap3A_11], %neg3A_9 {strides = array<i32>} : memref<1002x1000xf32, #tpu.memory_space<vmem>>, vector<1000x1000xf32>,
    %transpose3A_13 = tpu.transpose %add3A, [1, 0] : vector<1000x1xf32> -> vector<1x1000xf32>
    %swap3A_14 = arith.constant 1000 : index
    %swap3A_15 = arith.constant 0 : index
    %swap3A_16 = vector.load %arg2[%swap3A_14, %swap3A_15] : memref<1002x1000xf32, #tpu.memory_space<vmem>>, vector<1x1000xf32>
    tpu.vector_store %arg2[%swap3A_14, %swap3A_15], %transpose3A_13 {strides = array<i32>} : memref<1002x1000xf32, #tpu.memory_space<vmem>>, vector<1x1000xf32>,
    %broadcast_in_dim3A_17 = arith.constant 0.000000e+00 : f32
    %broadcast_in_dim3A_18 = vector.broadcast %broadcast_in_dim3A_17 : f32 to vector<1x1000xf32>
    %swap3A_19 = arith.constant 1001 : index
    %swap3A_20 = arith.constant 0 : index
    %swap3A_21 = vector.load %arg2[%swap3A_19, %swap3A_20] : memref<1002x1000xf32, #tpu.memory_space<vmem>>, vector<1x1000xf32>
    tpu.vector_store %arg2[%swap3A_19, %swap3A_20], %broadcast_in_dim3A_18 {strides = array<i32>} : memref<1002x1000xf32, #tpu.memory_space<vmem>>, vector<1x1000xf32>,
    return
  }
}

module attributes {stable_mosaic.version = 14 : i64} {
  func.func @_tc_kernel(%arg0: i32, %arg1: memref<1x1x1024xi32, #tpu.memory_space<vmem>>, %arg2: memref<1000x1000xbf16, #tpu.memory_space<vmem>>, %arg3: memref<1x1000x1024xf32, #tpu.memory_space<vmem>>) attributes {dimension_semantics = [#tpu.dimension_semantics<arbitrary>], iteration_bounds = array<i64: 50>, scalar_prefetch = 0 : i64, scratch_operands = 0 : i64, tpu.core_type = #tpu.core_type<tc>, window_params = [{transform_indices = @transform_0, window_bounds = array<i64: 1, 1, 1024>}, {pipeline_mode = #tpu.pipeline_mode<synchronous>, transform_indices = @transform_1, window_bounds = array<i64: 1000, 1000>}, {transform_indices = @transform_2, window_bounds = array<i64: 1, 1000, 1024>}]} {
    %get3A = arith.constant 0 : index
    %get3A_0 = arith.constant 0 : index
    %get3A_1 = arith.constant 0 : index
    %get3A_2 = vector.load %arg1[%get3A, %get3A_0, %get3A_1] : memref<1x1x1024xi32, #tpu.memory_space<vmem>>, vector<1x1x1024xi32>
    %get3A_3 = vector.shape_cast %get3A_2 : vector<1x1x1024xi32> to vector<1024xi32>
    %iota3A = tpu.iota {dimensions = array<i32: 0>} : vector<1000x1024xi32>
    %broadcast_in_dim3A = vector.shape_cast %get3A_3 : vector<1024xi32> to vector<1x1024xi32>
    %eq3A = vector.broadcast %broadcast_in_dim3A : vector<1x1024xi32> to vector<1000x1024xi32>
    %eq3A_4 = arith.cmpi eq, %iota3A, %eq3A : vector<1000x1024xi32>
    %convert_element_type3A = arith.extui %eq3A_4 : vector<1000x1024xi1> to vector<1000x1024xi32>
    %convert_element_type3A_5 = arith.sitofp %convert_element_type3A : vector<1000x1024xi32> to vector<1000x1024xf32>
    %convert_element_type3A_6 = arith.truncf %convert_element_type3A_5 : vector<1000x1024xf32> to vector<1000x1024xbf16>
    %get3A_7 = arith.constant 0 : index
    %get3A_8 = arith.constant 0 : index
    %get3A_9 = vector.load %arg2[%get3A_7, %get3A_8] : memref<1000x1000xbf16, #tpu.memory_space<vmem>>, vector<1000x1000xbf16>
    %dot_general3A = arith.constant dense<0.000000e+00> : vector<1000x1024xf32>
    %dot_general3A_10 = tpu.matmul %get3A_9, %convert_element_type3A_6, %dot_general3A {dimension_numbers = #tpu.dot_dimension_numbers<[1], [0], [0], [1], [0, 0, 1, 1], [], []>, transpose_lhs_hint = false} : vector<1000x1000xbf16>, vector<1000x1024xbf16>, vector<1000x1024xf32> -> vector<1000x1024xf32>
    %swap3A = arith.constant 0 : index
    %swap3A_11 = arith.constant 0 : index
    %swap3A_12 = arith.constant 0 : index
    %swap3A_13 = vector.load %arg3[%swap3A, %swap3A_11, %swap3A_12] : memref<1x1000x1024xf32, #tpu.memory_space<vmem>>, vector<1x1000x1024xf32>
    %swap3A_14 = vector.shape_cast %swap3A_13 : vector<1x1000x1024xf32> to vector<1000x1024xf32>
    %swap3A_15 = vector.shape_cast %dot_general3A_10 : vector<1000x1024xf32> to vector<1x1000x1024xf32>
    tpu.vector_store %arg3[%swap3A, %swap3A_11, %swap3A_12], %swap3A_15 {strides = array<i32>} : memref<1x1000x1024xf32, #tpu.memory_space<vmem>>, vector<1x1000x1024xf32>,
    return
  }
  func.func @transform_0(%arg0: i32) -> (i32, i32, i32) {
    %c0_i32 = arith.constant 0 : i32
    %c0_i32_0 = arith.constant 0 : i32
    %c0_i32_1 = arith.constant 0 : i32
    return %arg0, %c0_i32, %c0_i32_0 : i32, i32, i32
  }
  func.func @transform_1(%arg0: i32) -> (i32, i32) {
    %c0_i32 = arith.constant 0 : i32
    %c0_i32_0 = arith.constant 0 : i32
    %c0_i32_1 = arith.constant 0 : i32
    return %c0_i32, %c0_i32_0 : i32, i32
  }
  func.func @transform_2(%arg0: i32) -> (i32, i32, i32) {
    %c0_i32 = arith.constant 0 : i32
    %c0_i32_0 = arith.constant 0 : i32
    %c0_i32_1 = arith.constant 0 : i32
    return %arg0, %c0_i32, %c0_i32_0 : i32, i32, i32
  }
}

</mosaic_0001>

<sc_bundles>
// kernel: kernel.5.cloned.1.call-start
scs
__scs_entry_jumppad:
0x0: {  	(pc) =	sbr.rel $0x88, $3  }
0x1: {  	(tag) =	ssettag $0x0;
	lr =	simm.s32 $0x1  }
0x2: {  	[smem:$0x3F9E] =	sst lr;
	_ =	strace $0xD0000000  }
0x3: {  	_ = 	snop  }
0x4: {  	_ = 	snop  }
0x5: {  	_ = 	snop  }
0x6: {  	_ = 	snop  }
0x7: {  	_ = 	snop  }
__scs_overlays_trampoline_lowered:
0x8: {  	[smem:$0x3FAD] =	sst s0  }
0x9: {  	[smem:$0x3FAE] =	sst s1  }
0xa: {  	[smem:$0x3FAF] =	sst s2  }
0xb: {  	[smem:$0x3FB0] =	sst s3  }
0xc: {  	[smem:$0x3FB1] =	sst s4  }
0xd: {  	[smem:$0x3FB2] =	sst s5  }
0xe: {  	[smem:$0x3FB3] =	sst s6  }
0xf: {  	[smem:$0x3FB4] =	sst s7  }
0x10: {  	[smem:$0x3FB5] =	sst s8  }
0x11: {  	[smem:$0x3FB6] =	sst s9;
	s0 =	simm.s32 @!p0 $0x0  }
0x12: {  	s1 =	sld [smem:$0x3F9C];
	s0 =	simm.s32 @p0 $0x1  }
0x13: {  	[smem:$0x3FB7] =	sst s0;
	s0 =	simm.s32 @!p1 $0x0  }
0x14: {  	s2 =	sld [smem:$0x3F9B];
	s0 =	simm.s32 @p1 $0x1  }
0x15: {  	[smem:$0x3FB8] =	sst s0;
	s0 =	simm.s32 @!p2 $0x0  }
0x16: {  	s3 =	sld [smem:$0x3FDB];
	s0 =	simm.s32 @p2 $0x1  }
0x17: {  	s4 =	simm.s32 $0x1BF5;
	[smem:$0x3FBA] =	sst s0  }
0x18: {  	s0 =	sld [smem:$0x3F9D];
	_ =	swait.ge [sflag:s4], $0x0  }
0x19: {  	s7 =	sld [smem:$0x3F9E]  }
0x1a: {  	s8 =	sadd.s32 $0xFFFFE003, lr  }
0x1b: {  	s9 =	sadd.s32 $0xFFFFFEF7, lr;
	s5 =	simm.s32 $0xFFFFFFFF;
	p2 =	slt.u32 s8, $0xFFFFF086  }
0x1c: {  	p1 =	slt.u32 s9, $0xF7A;
	s5 =	simm.s32 @!p2 $0x0  }
0x1d: {  	s5 =	simm.s32 @p1 $0x1;
	p0 =	seq.s32 s7, s2  }
0x1e: {  	s7 =	smul.u32 @!p0 $0xF7A, s2;
	p2 =	seq.s32 @!p0 s5, $0x0  }
0x1f: {  	s9 =	smul.u32 $0xF7A, s1;
	s8 =	simm.s32 @!p0 $0x1BF5;
	p2 =	por !p2, p0  }
0x20: {  	[sflag:s8] =	ssyncset.s32 @!p0 $0xFFFFF086;
	s6 =	sadd.s32 @!p0 s3, s7;
	s7 =	simm.s32 @!p0 $0x108  }
0x21: {  	s3 =	sadd.s32 s3, s9;
	s6 =	sadd.s32 @!p0 $0x88, s6;
	s7 =	simm.s32 @p2 $0x1082  }
0x22: {  	[simem:s7], [sflag:s8] =	dma.local @!p0 [hbm:s6], $0xF7A  }
0x23: {  	s9 =	sor.u32 $0xD0000000, s2;
	s6 =	simm.s32 $0x108;
	_ =	swait.ge @!p0 [sflag:s8], $0x0  }
0x24: {  	s3 =	sadd.s32 $0x88, s3;
	s6 =	simm.s32 @!p1 $0x1082;
	[sflag:s4] =	ssyncset.s32 $0xFFFFF086  }
0x25: {  	[simem:s6], [sflag:s4] =	dma.local [hbm:s3], $0xF7A  }
0x26: {  	[smem:$0x3F9E] =	sst s1;
	(tag) =	ssettag s2;
	_ =	strace s9  }
0x27: {  	s1 =	sld [smem:$0x3FAE]  }
0x28: {  	s2 =	sld [smem:$0x3FAF]  }
0x29: {  	s4 =	sld [smem:$0x3FB1]  }
0x2a: {  	p0 =	seq.s32 s5, $0x0;
	s5 =	sld [smem:$0x3FB2]  }
0x2b: {  	s6 =	sld [smem:$0x3FB3]  }
0x2c: {  	s7 =	sld [smem:$0x3FB4]  }
0x2d: {  	s3 =	simm.s32 $0x108;
	s8 =	sld [smem:$0x3FB5]  }
0x2e: {  	s3 =	simm.s32 @!p0 $0x1082;
	s9 =	sld [smem:$0x3FB6]  }
0x2f: {  	lr =	sadd.s32 s0, s3;
	s0 =	sld [smem:$0x3FAD]  }
0x30: {  	s3 =	sld [smem:$0x3FB0]  }
0x31: {  	[smem:$0x3FB9] =	sst s10  }
0x32: {  	s10 =	sld [smem:$0x3FB7];
	_ =	sdelay $0x3  }
0x33: {  	p0 =	seq.s32 s10, $0x1;
	s10 =	sld [smem:$0x3FB9];
	_ =	sdelay $0x3  }
0x34: {  	[smem:$0x3FB9] =	sst s10  }
0x35: {  	s10 =	sld [smem:$0x3FB8];
	_ =	sdelay $0x3  }
0x36: {  	p1 =	seq.s32 s10, $0x1;
	s10 =	sld [smem:$0x3FB9];
	_ =	sdelay $0x3  }
0x37: {  	[smem:$0x3FB9] =	sst s10  }
0x38: {  	s10 =	sld [smem:$0x3FBA]  }
0x39: {  	_ = 	snop;
	(pc) =	sbr.ind lr, $3  }
0x3a: {  	_ = 	snop  }
0x3b: {  	_ = 	snop  }
0x3c: {  	p2 =	seq.s32 s10, $0x1;
	s10 =	sld [smem:$0x3FB9]  }
0x3d: {  	_ =	shalt  }
0x3e: {  	_ =	shalt  }
0x3f: {  	_ =	shalt  }
0x40: {  	_ =	shalt  }
0x41: {  	_ =	shalt  }
0x42: {  	_ =	shalt  }
0x43: {  	_ =	shalt  }
0x44: {  	_ =	shalt  }
0x45: {  	_ =	shalt  }
0x46: {  	_ =	shalt  }
0x47: {  	_ =	shalt  }
0x48: {  	_ =	shalt  }
0x49: {  	_ =	shalt  }
0x4a: {  	_ =	shalt  }
0x4b: {  	_ =	shalt  }
0x4c: {  	_ =	shalt  }
0x4d: {  	_ =	shalt  }
0x4e: {  	_ =	shalt  }
0x4f: {  	_ =	shalt  }
0x50: {  	_ =	shalt  }
0x51: {  	_ =	shalt  }
0x52: {  	_ =	shalt  }
0x53: {  	_ =	shalt  }
0x54: {  	_ =	shalt  }
0x55: {  	_ =	shalt  }
0x56: {  	_ =	shalt  }
0x57: {  	_ =	shalt  }
0x58: {  	_ =	shalt  }
0x59: {  	_ =	shalt  }
0x5a: {  	_ =	shalt  }
0x5b: {  	_ =	shalt  }
0x5c: {  	_ =	shalt  }
0x5d: {  	_ =	shalt  }
0x5e: {  	_ =	shalt  }
0x5f: {  	_ =	shalt  }
0x60: {  	_ =	shalt  }
0x61: {  	_ =	shalt  }
0x62: {  	_ =	shalt  }
0x63: {  	_ =	shalt  }
0x64: {  	_ =	shalt  }
0x65: {  	_ =	shalt  }
0x66: {  	_ =	shalt  }
0x67: {  	_ =	shalt  }
0x68: {  	_ =	shalt  }
0x69: {  	_ =	shalt  }
0x6a: {  	_ =	shalt  }
0x6b: {  	_ =	shalt  }
0x6c: {  	_ =	shalt  }
0x6d: {  	_ =	shalt  }
0x6e: {  	_ =	shalt  }
0x6f: {  	_ =	shalt  }
0x70: {  	_ =	shalt  }
0x71: {  	_ =	shalt  }
0x72: {  	_ =	shalt  }
0x73: {  	_ =	shalt  }
0x74: {  	_ =	shalt  }
0x75: {  	_ =	shalt  }
0x76: {  	_ =	shalt  }
0x77: {  	_ =	shalt  }
0x78: {  	_ =	shalt  }
0x79: {  	_ =	shalt  }
0x7a: {  	_ =	shalt  }
0x7b: {  	_ =	shalt  }
0x7c: {  	_ =	shalt  }
0x7d: {  	_ =	shalt  }
0x7e: {  	_ =	shalt  }
0x7f: {  	_ =	shalt  }
0x80: {  	_ =	shalt  }
0x81: {  	_ =	shalt  }
0x82: {  	_ =	shalt  }
0x83: {  	_ =	shalt  }
0x84: {  	_ =	shalt  }
0x85: {  	_ =	shalt  }
0x86: {  	_ =	shalt  }
0x87: {  	_ =	shalt  }
.Lfunc_end0:
.L_simem_size_0:
called_computation_lowered:
.L_overlay_start_0:
0x88: {  	s2 =	sld [smem:$0x3FD9]  }
0x89: {  	s3 =	sld [smem:$0x3FFE];
	_ =	sdelay $0x1  }
0x8a: {  	s1 =	srdreg.scid  }
0x8b: {  	s0 =	sand.u32 $0x1, s1  }
0x8c: {  	s16 =	sshll.u32 s0, $0xA;
	s2 =	sadd.s32 s3, s2  }
0x8d: {  	s2 =	sadd.s32 s2, s16  }
0x8e: {  	[smem:$0x3FC5] =	sst s2  }
0x8f: {  	_ = 	snop  }
0x90: {  	(tm) =	ssettm $0x1  }
0x91: {  	s17 =	sld [smem:$0x3FFB];
	_ =	sdelay $0x3  }
0x92: {  	_ =	strace s17  }
0x93: {  	s2 =	sld [smem:$0x3FFC];
	_ =	sdelay $0x3  }
0x94: {  	_ =	strace s2  }
0x95: {  	s2 =	sld [smem:$0x3FFD];
	_ =	sdelay $0x3  }
0x96: {  	_ =	strace s2  }
0x97: {  	_ =	strace $0x8FFFFFFF  }
0x98: {  	s18 =	sld [smem:$0x3FDB];
	_ =	sdelay $0x1  }
0x99: {  	s19 =	simm.s32 $_scs_section_size  }
0x9a: {  	s4 =	simm.s32 $_size__tile_overlayer_lowered;
	s5 =	simm.s32 $_tile_overlayer_lowered  }
0x9b: {  	s22 =	simm.s32 $0x1BFF;
	s21 =	sshll.u32 s5, $0x1;
	s2 =	sadd.s32 s19, s18  }
0x9c: {  	s6 =	simm.s32 $0x0;
	s20 =	sshll.u32 s4, $0x1;
	s4 =	sadd.s32 s21, s2  }
0x9d: {  	[timem:s6], [sflag:s22] =	dma.local [hbm:s4], s20  }
0x9e: {  	_ =	swait.ge [sflag:s22], s20  }
0x9f: {  	s3 =	ssub.s32 $0x0, s20;
	[sflag:s22] =	ssyncset.done $0x0  }
0xa0: {  	[sflag:s22] =	ssyncadd.s32 s3;
	_ =	sdelay $0x1  }
0xa1: {  	s23 =	simm.s32 $0x1B8B  }
0xa2: {  	_ =	swait.ge [sflag:s23], $0x1  }
0xa3: {  	[sflag:s23] =	ssyncset.done $0x0  }
0xa4: {  	s25 =	simm.s32 $0x1B8E;
	s24 =	sld [smem:$0x3FFE];
	[sflag:s23] =	ssyncadd.s32 $0xFFFFFFFF  }
0xa5: {  	s26 =	simm.s32 $execute0_lowered;
	[smem:$0x3FD2] =	sst s25  }
0xa6: {  	s4 =	sshll.u32 s26, $0x1;
	_ =	strace $0x80000046;
	[dreg:$0x1] =	wrdreg $0xFFFFFFFF  }
0xa7: {  	s28 =	simm.s32 $_size_execute0_lowered;
	s2 =	sadd.s32 s2, s4;
	[dreg:$0x0] =	wrdreg $0x0  }
0xa8: {  	s4 =	sshll.u32 s28, $0x1;
	[dreg:$0x2] =	wrdreg s2  }
0xa9: {  	[dreg:$0x3] =	wrdreg s4  }
0xaa: {  	[dreg:$0x4] =	wrdreg $0xC0  }
0xab: {  	_ =	task [dreg:s6], $0x5FFFF  }
0xac: {  	[dreg:$0x1] =	wrdreg $0xFFFFFFFF  }
0xad: {  	[dreg:$0x0] =	wrdreg $0x60  }
0xae: {  	[dreg:$0x2] =	wrdreg s24  }
0xaf: {  	[dreg:$0x3] =	wrdreg $0x9  }
0xb0: {  	_ =	task.clear_ibuf [dreg:s6], $0x4FFFF;
	_ =	strace $0x90000046  }
0xb1: {  	s29 =	simm.s32 $0x9;
	_ =	strace $0x8000004C  }
0xb2: {  	_ =	swait.ge [sflag:s29], $0x1  }
0xb3: {  	[sflag:s29] =	ssyncadd.s32 $0xFFFFFFFF  }
0xb4: {  	_ =	strace $0x9000004C  }
0xb5: {  	_ =	sfence  }
0xb6: {  	s30 =	sld [smem:$0x0];
	_ =	sdelay $0x2  }
0xb7: {  	s31 =	sshll.u32 s1, $0xD;
	s1 =	sshrl.u32 s1, $0x2  }
0xb8: {  	s3 =	sand.u32 $0x4000, s31;
	s1 =	sadd.s32 s1, s30  }
0xb9: {  	s0 =	sor.u32 s3, s0;
	s1 =	sshll.u32 s1, $0x11  }
0xba: {  	s0 =	sor.u32 s1, s0  }
0xbb: {  	s0 =	sadd.s32 $0x8F2B, s0  }
0xbc: {  	[sflag:s0] =	ssyncadd.remote.s32 $0x1  }
0xbd: {  	_ =	sfence.sel $0xFFFF  }
0xbe: {  	[dreg:$0x0] =	wrdreg $0xFFFFFFFF;
	(pc) =	sbr.abs _section_cstart, $3  }
0xbf: {  	[dreg:$0x1] =	wrdreg $0xFFFFFFFF  }
0xc0: {  	_ =	task.clear_ibuf [dreg:s6], $0x2FFFF;
	_ =	strace $0x9FFFFFFF  }
0xc1: {  	(tm) =	ssettm $0x7FFFFFFF  }
tec
execute0_lowered:
.L_overlay_start_1:
0x0: {  	(tag) =	ssettag $0x1  }
0x1: {  	s6 =	rddreg [dreg:$0x0]  }
0x2: {  	s1 =	srdreg.scid;
	s0 =	rddreg [dreg:$0x1];
	s2 =	simm.s32 $0x0  }
0x3: {  	s13 =	simm.s32 $0x3;
	s14 =	simm.s32 $0x1;
	s15 =	simm.s32 $0x0  }
0x4: {  	s7 =	sand.u32 $0x1, s1;
	[smem:$0x7FF] =	sst s2;
	s1 =	stileid.u32  }
0x5: {  	s4 =	sadd.s32 $0x1F200, s6;
	s3 =	sshll.u32 s7, $0x4;
	_ =	strace $0x80000047  }
0x6: {  	s9 =	sshll.u32 s1, $0x4;
	s10 =	ssub.s32 $0x2, s7;
	s5 =	sor.u32 s1, s3  }
0x7: {  	s7 =	sshll.u32 s7, $0x8;
	s3 =	sadd.s32 $0x800, s6;
	s8 =	smul.u32 $0x6, s5  }
0x8: {  	s12 =	sshrl.u32 s10, $0x1;
	s29 =	sadd.s32 s9, s6;
	s11 =	smul.u32 $0x7, s5  }
0x9: {  	s6 =	simm.s32 $0x7;
	p0 =	slt.u32 s5, $0x8;
	s5 =	sadd.s32 $0x8, s8  }
0xa: {  	s10 =	ssub.s32 s10, s12;
	s31 =	sadd.s32 s7, s29;
	s5 =	smov.u32 @p0 s11  }
0xb: {  	s12 =	simm.s32 $0x200;
	s6 =	simm.s32 @!p0 $0x6;
	s30 =	sshll.u32 s5, $0x6  }
0xc: {  	s10 =	smax.u32 s10, $0x1;
	s8 =	sadd.s32 $0xFFFFFFFF, s6;
	s9 =	sand.u32 $0x1FFFFFC0, s30  }
0xd: {  	v0 =	vimm.f32 $0.0e+00;
	s11 =	simm.s32 $0x280;
	s7 =	sadd.s32 s4, s9;
	s9 =	sadd.s32 $0x22400, s31  }
.LBB2_1:
0xe: {  	[tilespmem:$0x200] =	vst v0  }
0xf: {  	s16 =	simm.s32 $0x0;
	s17 =	simm.s32 $0x0;
	_ =	strace $0x80000048  }
0x10: {  	[tilespmem:s11], [sflag:$0x1] =	stream.linear.gather [hbm4b:s7+s2], $0x200, $0x200038;
	[tilespmem:$0x680] =	vst v63  }
0x11: {  	s18 =	simm.s32 $0x1;
	s19 =	simm.s32 $0x0;
	_ =	strace $0x90000048  }
.LBB2_2:
0x12: {  	s20 =	smov.u32 s16;
	s16 =	sadd.s32 $0x1, s16  }
0x13: {  	p0 =	seq.s32 s16, s6  }
0x14: {  	s16 =	simm.s32 @p0 $0x0  }
0x15: {  	p6 =	slt.u32 s19, s8;
	p1 =	sne.s32 s20, s16  }
0x16: {  	p0 =	por !p6, !p1  }
0x17: {  	p0 =	por !p0, !p0  }
0x18: {  	s21 =	sadd.s32 @p0 s5, s16  }
0x19: {  	s20 =	sand.u32 @p0 $0x1, s18;
	_ =	strace @p0 $0x80000049;
	s21 =	sshll.u32 @p0 s21, $0x6  }
0x1a: {  	s23 =	simm.s32 @p0 $0x0;
	s22 =	sshll.u32 @p0 s20, $0x9;
	s21 =	sand.u32 @p0 $0x1FFFFFC0, s21  }
0x1b: {  	s20 =	sadd.s32 @p0 $0x1, s20;
	s22 =	sadd.s32 @p0 $0x280, s22;
	s21 =	sadd.s32 @p0 s4, s21  }
0x1c: {  	[tilespmem:s22], [sflag:s20] =	stream.linear.gather @p0 [hbm4b:s21+s23], $0x200, $0x200038;
	[tilespmem:$0x680] =	vst v63  }
0x1d: {  	s29 =	sand.u32 $0x1, s17;
	_ =	strace @p0 $0x90000049  }
0x1e: {  	s20 =	sadd.s32 $0x1, s29;
	_ =	strace $0x8000004A  }
0x1f: {  	_ =	swait.ge [sflag:s20], $0x200  }
0x20: {  	[sflag:s20] =	ssyncset.done $0x0  }
0x21: {  	s30 =	sshll.u32 s17, $0x9;
	[sflag:s20] =	ssyncadd.s32 $0xFFFFFE00  }
0x22: {  	s20 =	sand.u32 $0x200, s30;
	_ =	strace $0x9000004A  }
0x23: {  	s31 =	simm.s32 $0x0;
	s20 =	sadd.s32 $0x280, s20;
	_ =	strace $0x8000004B  }
0x24: {  	[tilespmem:s31], [sflag:$0x3] =	stream.indirect.gather [hbm4b:s3+s12], $0x1, s20, s12, $0x2000b8;
	[tilespmem:$0x680] =	vst v63  }
0x25: {  	_ =	swait.ge [sflag:s13], $0x200  }
0x26: {  	[sflag:s13] =	ssyncset.done $0x0  }
0x27: {  	[sflag:s13] =	ssyncadd.s32 $0xFFFFFE00  }
0x28: {  	s21 =	simm.s32 $0x0;
	s20 =	simm.s32 $0x40;
	v1 =	vld [tilespmem:$0x200]  }
.LBB2_3:
0x29: {  	p2 =	sne.s32 s20, $0x7C0;
	v2 =	vld [tilespmem:s21+$0x0];
	_ =	sdelay $0x2  }
.Ltmp0:
0x2a: {  	(pc) =	sbr.rel @p2 .LBB2_3-.Ltmp0, $3  }
0x2b: {  	_ = 	snop  }
0x2c: {  	v1 =	vadd.f32 v2, v1;
	_ =	sdelay $0x1  }
0x2d: {  	s21 =	sshra.s32 s20, $0x2;
	s20 =	sadd.s32 $0x40, s20;
	[tilespmem:$0x200] =	vst v1  }
0x2e: {  	v2 =	vld [tilespmem:s21+$0x0];
	_ =	sdelay $0x1  }
0x2f: {  	p2 =	seq.s32 s19, s8;
	s20 =	simm.s32 $0x1;
	s19 =	sadd.s32 $0x1, s19  }
0x30: {  	s20 =	simm.s32 @!p0 $0x0;
	p0 =	sne.s32 s19, s6  }
.Ltmp1:
0x31: {  	_ = 	snop;
	(pc) =	sbr.rel @p0 .LBB2_2-.Ltmp1, $4  }
0x32: {  	v1 =	vadd.f32 v2, v1  }
0x33: {  	s21 =	simm.s32 $0x1;
	p1 =	por p2, p1  }
0x34: {  	s21 =	simm.s32 @!p1 $0x0;
	[tilespmem:$0x200] =	vst v1  }
0x35: {  	s18 =	sadd.s32 s20, s18;
	s17 =	sadd.s32 s21, s17;
	_ =	strace $0x9000004B  }
0x36: {  	s15 =	sadd.s32 $0x1, s15  }
0x37: {  	p0 =	sne.s32 s15, s10  }
.Ltmp2:
0x38: {  	_ = 	snop;
	(pc) =	sbr.rel @p0 .LBB2_1-.Ltmp2, $4  }
0x39: {  	[hbm4b:s9+s2] =	stream.linear.scatter [tilespmem:s12], [sflag:$0x1], $0x80, $0x38;
	[tilespmem:$0x680] =	vst v63  }
0x3a: {  	_ =	swait.ge [sflag:s14], $0x80  }
0x3b: {  	[sflag:s14] =	ssyncset.done $0x0  }
0x3c: {  	[sflag:s14] =	ssyncadd.s32 $0xFFFFFF80  }
0x3d: {  	_ =	sfence.sel $0x180000  }
0x3e: {  	[bflag:$0x0] =	sbarrier.arrive $0xFFFF  }
0x3f: {  	p0 =	sne.s32 s1, $0x0;
	_ =	strace $0x90000047  }
0x40: {  	s0 =	sadd.s32 @!p0 $0x100000, s0;
	[bflag:$0x2] =	sbarrier.arrive $0xFFFF  }
0x41: {  	[sflag:s0] =	ssyncadd.tile.s32 @!p0 $0x1;
	_ =	shalt  }
.Lfunc_end2:
_tile_overlayer_lowered:
.L_overlay_start_2:
0x42: {  	(tag) =	ssettag $0x2  }
0x43: {  	s0 =	rddreg [dreg:$0x0];
	s2 =	stileid.u32  }
0x44: {  	s1 =	rddreg [dreg:$0x1];
	p0 =	sne.s32 s2, $0x0  }
0x45: {  	s3 =	rddreg [dreg:$0x2];
	[bflag:$0x3] =	sbarrier.arrive $0xFFFF;
	s2 =	simm.s32 @!p0 $0x1C01  }
0x46: {  	[timem:s3], [sflag:s2] =	dma.local @!p0 [hbm:s0], s1  }
0x47: {  	s0 =	simm.s32 @!p0 $0x1  }
0x48: {  	_ =	swait.ge @!p0 [sflag:s0], s1  }
0x49: {  	s1 =	ssub.s32 @!p0 $0x0, s1;
	[sflag:s0] =	ssyncset.done @!p0 $0x0  }
0x4a: {  	[sflag:s0] =	ssyncadd.s32 @!p0 s1  }
0x4b: {  	[bflag:$0x3] =	sbarrier.arrive $0xFFFF  }
0x4c: {  	_ =	shalt  }

</sc_bundles>
